<compile_context>
chip_gen: v7x
topology: tpu7x:2x2x1
jax: 0.10.2.dev20260603
libtpu: 0.0.44.dev20260713+nightly
codegen_flags: <defaults>
</compile_context>

<pallas_src>
import functools

import jax
import jax.numpy as jnp
import numpy as np
from jax import lax
from jax.experimental import pallas as pl
from jax.experimental.pallas import tpu as pltpu, tpu_sc as plsc

N = 10000
E = 320000
D = 128
HEADS = 8
HD = D // HEADS
RBF = 20
N1 = 64
N2 = 32
VDIM = N1 * 3 + N2 * 5
NUM_GRAPHS = 64

NC = 2
NS = 16
NW = NC * NS
CH = 128

KE = 79
EP = NW * KE * CH
EB = 512
NEB = EP // EB
NB = 512

KA = 3
AP = NW * KA * CH
NPAD = 10112
NFOLD = 640


def _mesh():
    return plsc.VectorSubcoreMesh(
        core_axis_name="c", subcore_axis_name="s", num_cores=NC, num_subcores=NS)



@functools.partial(jax.jit, static_argnames=("k_chunks", "row_w"))
def _sc_gather(table, idx3, *, k_chunks, row_w):
    ep = NW * k_chunks * CH

    @functools.partial(
        pl.kernel, mesh=_mesh(),
        out_type=jax.ShapeDtypeStruct((ep, row_w), jnp.float32),
        scratch_types=[
            pltpu.VMEM((k_chunks, CH), jnp.int32),
            pltpu.VMEM((CH, row_w), jnp.float32),
            pltpu.SemaphoreType.DMA,
        ],
    )
    def k(table_hbm, idx_hbm, out_hbm, idx_v, buf_v, sem):
        c = lax.axis_index("c")
        s = lax.axis_index("s")
        wid = s * NC + c
        pltpu.sync_copy(idx_hbm.at[wid], idx_v)
        base = wid * k_chunks * CH

        def body(j, carry):
            pltpu.async_copy(table_hbm.at[idx_v.at[j]], buf_v, sem).wait()
            pltpu.sync_copy(buf_v, out_hbm.at[pl.ds(base + j * CH, CH)])
            return carry

        lax.fori_loop(0, k_chunks, body, 0)

    return k(table, idx3)


@functools.partial(jax.jit, static_argnames=("k_chunks", "row_w", "n_rows"))
def _sc_scatter_add(vals, idx3, *, k_chunks, row_w, n_rows):
    rps = n_rows // NS
    zsz = []
    left = rps
    while left > 0:
        zsz.append(min(CH, left))
        left -= zsz[-1]
    zeros = jnp.zeros((CH, row_w), jnp.float32)

    @functools.partial(
        pl.kernel, mesh=_mesh(),
        out_type=jax.ShapeDtypeStruct((NC, n_rows, row_w), jnp.float32),
        scratch_types=[
            pltpu.VMEM((k_chunks, CH), jnp.int32),
            pltpu.VMEM((CH, row_w), jnp.float32),
            pltpu.VMEM_SHARED((n_rows, row_w), jnp.float32),
            pltpu.SemaphoreType.DMA,
        ],
    )
    def k(vals_hbm, idx_hbm, zeros_hbm, out_hbm, idx_v, buf_v, acc, sem):
        c = lax.axis_index("c")
        s = lax.axis_index("s")
        wid = s * NC + c
        off = s * rps
        rel = 0
        for sz in zsz:
            pltpu.sync_copy(zeros_hbm.at[pl.ds(0, sz)], acc.at[pl.ds(off + rel, sz)])
            rel += sz
        plsc.subcore_barrier()
        pltpu.sync_copy(idx_hbm.at[wid], idx_v)
        base = wid * k_chunks * CH

        def body(j, carry):
            pltpu.sync_copy(vals_hbm.at[pl.ds(base + j * CH, CH)], buf_v)
            pltpu.sync_copy(buf_v, acc.at[idx_v.at[j]], add=True)
            return carry

        lax.fori_loop(0, k_chunks, body, 0)
        plsc.subcore_barrier()
        pltpu.sync_copy(acc.at[pl.ds(off, rps)], out_hbm.at[c, pl.ds(off, rps)])

    return k(vals, idx3, zeros)



def _edge_spec(w, col=0):
    return pl.BlockSpec((EB, w), lambda i, c=col: (i, c))


def _full(shape):
    nd = len(shape)
    return pl.BlockSpec(shape, lambda i: (0,) * nd)


def _tc_project(xs, Wcat):
    grid = (pl.cdiv(N, NB),)

    def body(x_ref, w_ref, q_ref, kv_ref, r_ref):
        h = jnp.dot(x_ref[...], w_ref[...], preferred_element_type=jnp.float32)
        q_ref[...] = h[:, :D]
        kv_ref[...] = h[:, D:3 * D]
        r_ref[...] = h[:, 3 * D:]

    return pl.pallas_call(
        body,
        grid=grid,
        in_specs=[pl.BlockSpec((NB, D), lambda i: (i, 0)), _full((D, 4 * D))],
        out_specs=[pl.BlockSpec((NB, D), lambda i: (i, 0)),
                   pl.BlockSpec((NB, 2 * D), lambda i: (i, 0)),
                   pl.BlockSpec((NB, D), lambda i: (i, 0))],
        out_shape=[jax.ShapeDtypeStruct((N, D), jnp.float32),
                   jax.ShapeDtypeStruct((N, 2 * D), jnp.float32),
                   jax.ShapeDtypeStruct((N, D), jnp.float32)],
    )(xs, Wcat)


def _tc_logits(qg, kvg, rbf_p, mask_p, dm16, ddiv, Wrbf, SEL, R1c, R2c):
    def body(q_ref, k_ref, rbf_ref, m_ref, dm_ref, dv_ref, w_ref, sel_ref,
             r1_ref, r2_ref, out_ref, den_ref):
        i = pl.program_id(0)
        re = jnp.dot(rbf_ref[...], w_ref[...], preferred_element_type=jnp.float32)
        s = q_ref[...] * k_ref[...] * re
        lg = jnp.dot(s, sel_ref[...], preferred_element_type=jnp.float32) * (1.0 / np.sqrt(HD))
        ex = jnp.exp(jnp.minimum(lg, 60.0)) * m_ref[...]
        out_ref[...] = jnp.concatenate([ex, jnp.zeros_like(ex)], axis=1)
        placed = jnp.dot(dm_ref[...], r1_ref[...], preferred_element_type=jnp.float32) \
            * jnp.dot(ex, r2_ref[...], preferred_element_type=jnp.float32)
        oh = (dv_ref[...] == lax.broadcasted_iota(jnp.int32, (EB, NFOLD), 1).astype(jnp.float32))
        contrib = lax.dot_general(oh.astype(jnp.float32), placed,
                                  (((0,), (0,)), ((), ())),
                                  preferred_element_type=jnp.float32)

        @pl.when(i == 0)
        def _():
            den_ref[...] = contrib

        @pl.when(i > 0)
        def _():
            den_ref[...] += contrib

    return pl.pallas_call(
        body,
        grid=(NEB,),
        in_specs=[_edge_spec(D), _edge_spec(D, 0), _edge_spec(RBF), _edge_spec(1),
                  _edge_spec(16), _edge_spec(1),
                  _full((RBF, D)), _full((D, HEADS)), _full((16, D)),
                  _full((HEADS, D))],
        out_specs=[_edge_spec(16), pl.BlockSpec((NFOLD, D), lambda i: (0, 0))],
        out_shape=[jax.ShapeDtypeStruct((EP, 16), jnp.float32),
                   jax.ShapeDtypeStruct((NFOLD, D), jnp.float32)],
    )(qg, kvg, rbf_p, mask_p, dm16, ddiv, Wrbf, SEL, R1c, R2c)


def _tc_messages(ex, dtab, dm16, ddiv, kvg, rsh_p, env_p, Wg12, EXP8,
                 A1, B1, A2, B2, R1c, SS8):
    def body(ex_ref, dt_ref, dm_ref, dv_ref, v_ref, rsh_ref, env_ref,
             wg_ref, e8_ref, a1_ref, b1_ref, a2_ref, b2_ref, r1_ref, ss_ref,
             ms_ref, va_ref, vb_ref, vc_ref):
        oh = (dv_ref[...] == lax.broadcasted_iota(jnp.int32, (EB, NFOLD), 1).astype(jnp.float32))
        rowsel = jnp.dot(oh.astype(jnp.float32), dt_ref[...],
                         preferred_element_type=jnp.float32)
        msk = jnp.dot(dm_ref[...], r1_ref[...], preferred_element_type=jnp.float32)
        dsum = jnp.dot(rowsel * msk, ss_ref[...], preferred_element_type=jnp.float32)
        attn = ex_ref[:, :HEADS] / (dsum + 1e-16) * env_ref[...]
        ms = jnp.dot(attn, e8_ref[...], preferred_element_type=jnp.float32) * v_ref[...]
        g = jnp.dot(ms, wg_ref[...], preferred_element_type=jnp.float32)
        rsh = rsh_ref[...]
        v1 = jnp.dot(g[:, :N1], a1_ref[...], preferred_element_type=jnp.float32) \
            * jnp.dot(rsh[:, 0:3], b1_ref[...], preferred_element_type=jnp.float32)
        v2 = jnp.dot(g[:, N1:], a2_ref[...], preferred_element_type=jnp.float32) \
            * jnp.dot(rsh[:, 3:8], b2_ref[...], preferred_element_type=jnp.float32)
        ms_ref[...] = ms
        va_ref[...] = v1[:, :D]
        vb_ref[...] = jnp.concatenate([v1[:, D:], v2[:, :2 * D - N1 * 3]], axis=1)
        vc_ref[...] = jnp.concatenate(
            [v2[:, 2 * D - N1 * 3:],
             jnp.zeros((EB, 3 * D - N1 * 3 - N2 * 5), jnp.float32)], axis=1)

    return pl.pallas_call(
        body,
        grid=(NEB,),
        in_specs=[_edge_spec(16), _full((NFOLD, D)), _edge_spec(16), _edge_spec(1),
                  _edge_spec(D, 1), _edge_spec(8),
                  _edge_spec(1), _full((D, N1 + N2)), _full((HEADS, D)),
                  _full((N1, N1 * 3)), _full((3, N1 * 3)),
                  _full((N2, N2 * 5)), _full((5, N2 * 5)),
                  _full((16, D)), _full((D, HEADS))],
        out_specs=[_edge_spec(D), _edge_spec(D), _edge_spec(D), _edge_spec(D)],
        out_shape=[jax.ShapeDtypeStruct((EP, D), jnp.float32),
                   jax.ShapeDtypeStruct((EP, D), jnp.float32),
                   jax.ShapeDtypeStruct((EP, D), jnp.float32),
                   jax.ShapeDtypeStruct((EP, D), jnp.float32)],
    )(ex, dtab, dm16, ddiv, kvg, rsh_p, env_p, Wg12, EXP8, A1, B1, A2, B2, R1c, SS8)


def _tc_update(xs, xv, ms2, va2, vb2, vc2, root, consts):
    M1, M2, S3, S5, G1, G2, Wu1, bu1, Wu2, bu2, ln_g, ln_b, eq3, eq5 = consts

    def body(xs_ref, xv_ref, ms_ref, va_ref, vb_ref, vc_ref, rt_ref,
             m1_ref, m2_ref, s3_ref, s5_ref, g1_ref, g2_ref,
             wu1_ref, bu1_ref, wu2_ref, bu2_ref, lg_ref, lb_ref, e3_ref, e5_ref,
             xso_ref, xvo_ref):
        xs_in = xs_ref[...]
        xv_in = xv_ref[...]
        ms = ms_ref[...]
        va = va_ref[0] + va_ref[1]
        vb = vb_ref[0] + vb_ref[1]
        vc = vc_ref[0] + vc_ref[1]
        a1 = jnp.concatenate([va, vb[:, :N1 * 3 - D]], axis=1)
        a2 = jnp.concatenate([vb[:, N1 * 3 - D:], vc[:, :N2 * 5 - 2 * D + N1 * 3]], axis=1)
        new_s = ms[0] + ms[1] + rt_ref[...]
        xv1 = xv_in[:, :N1 * 3]
        xv2 = xv_in[:, N1 * 3:]
        nv1 = a1 + jnp.dot(xv1, m1_ref[...], preferred_element_type=jnp.float32)
        nv2 = a2 + jnp.dot(xv2, m2_ref[...], preferred_element_type=jnp.float32)
        n1 = jnp.sqrt(jnp.dot(nv1 * nv1, s3_ref[...], preferred_element_type=jnp.float32) + 1e-8)
        n2 = jnp.sqrt(jnp.dot(nv2 * nv2, s5_ref[...], preferred_element_type=jnp.float32) + 1e-8)
        h = jnp.concatenate([new_s, n1, n2], axis=1)
        h = jnp.dot(h, wu1_ref[...], preferred_element_type=jnp.float32) + bu1_ref[...]
        h = h * jax.nn.sigmoid(h)
        h = jnp.dot(h, wu2_ref[...], preferred_element_type=jnp.float32) + bu2_ref[...]
        s_out = h[:, :D]
        gates = jax.nn.sigmoid(h[:, D:])
        v1g = nv1 * jnp.dot(gates[:, :N1], g1_ref[...], preferred_element_type=jnp.float32)
        v2g = nv2 * jnp.dot(gates[:, N1:], g2_ref[...], preferred_element_type=jnp.float32)
        mu = jnp.mean(s_out, axis=-1, keepdims=True)
        dvi = s_out - mu
        var = jnp.mean(dvi * dvi, axis=-1, keepdims=True)
        xs_ln = dvi / jnp.sqrt(var + 1e-8) * lg_ref[...] + lb_ref[...]
        msq = (jnp.sum(v1g * v1g, axis=-1, keepdims=True)
               + jnp.sum(v2g * v2g, axis=-1, keepdims=True)) / (N1 + N2)
        inv = 1.0 / jnp.sqrt(msq + 1e-8)
        xv_ln = jnp.concatenate([v1g * inv * e3_ref[...], v2g * inv * e5_ref[...]], axis=1)
        xso_ref[...] = xs_ln + xs_in
        xvo_ref[...] = xv_ln + xv_in

    U = D + N1 + N2
    return pl.pallas_call(
        body,
        grid=(pl.cdiv(N, NB),),
        in_specs=[pl.BlockSpec((NB, D), lambda i: (i, 0)),
                  pl.BlockSpec((NB, VDIM), lambda i: (i, 0)),
                  pl.BlockSpec((NC, NB, D), lambda i: (0, i, 0)),
                  pl.BlockSpec((NC, NB, D), lambda i: (0, i, 0)),
                  pl.BlockSpec((NC, NB, D), lambda i: (0, i, 0)),
                  pl.BlockSpec((NC, NB, D), lambda i: (0, i, 0)),
                  pl.BlockSpec((NB, D), lambda i: (i, 0)),
                  _full((N1 * 3, N1 * 3)), _full((N2 * 5, N2 * 5)),
                  _full((N1 * 3, N1)), _full((N2 * 5, N2)),
                  _full((N1, N1 * 3)), _full((N2, N2 * 5)),
                  _full((U, 2 * U)), _full((1, 2 * U)), _full((2 * U, U)), _full((1, U)),
                  _full((1, D)), _full((1, D)), _full((1, N1 * 3)), _full((1, N2 * 5))],
        out_specs=[pl.BlockSpec((NB, D), lambda i: (i, 0)),
                   pl.BlockSpec((NB, VDIM), lambda i: (i, 0))],
        out_shape=[jax.ShapeDtypeStruct((N, D), jnp.float32),
                   jax.ShapeDtypeStruct((N, VDIM), jnp.float32)],
    )(xs, xv, ms2, va2, vb2, vc2, root,
      M1, M2, S3, S5, G1, G2, Wu1, bu1, Wu2, bu2, ln_g, ln_b, eq3, eq5)


def _tc_renv(rbf_p, env_p):
    def body(rbf_ref, env_ref, out_ref):
        re = rbf_ref[...] * env_ref[...]
        out_ref[...] = jnp.concatenate(
            [re, jnp.zeros((EB, D - RBF), jnp.float32)], axis=1)

    return pl.pallas_call(
        body,
        grid=(NEB,),
        in_specs=[_edge_spec(RBF), _edge_spec(1)],
        out_specs=_edge_spec(D),
        out_shape=jax.ShapeDtypeStruct((EP, D), jnp.float32),
    )(rbf_p, env_p)


def _tc_readout(xs, ne2, Wr, mlp, Woutp, boutp):
    (W1, b1), (W2, b2), (W3, b3) = mlp

    def body(xs_ref, ne_ref, wr_ref, w1_ref, b1_ref, w2_ref, b2_ref,
             w3_ref, b3_ref, wo_ref, bo_ref, out_ref):
        ne = ne_ref[...]
        node20 = ne[0, :, :RBF] + ne[1, :, :RBF]
        h = xs_ref[...] + jnp.dot(node20, wr_ref[...], preferred_element_type=jnp.float32)
        for w_ref, bias_ref in ((w1_ref, b1_ref), (w2_ref, b2_ref), (w3_ref, b3_ref)):
            h = jnp.dot(h, w_ref[...], preferred_element_type=jnp.float32) + bias_ref[...]
            h = h * jax.nn.sigmoid(h)
        out_ref[...] = jnp.dot(h, wo_ref[...], preferred_element_type=jnp.float32) + bo_ref[...]

    return pl.pallas_call(
        body,
        grid=(pl.cdiv(N, NB),),
        in_specs=[pl.BlockSpec((NB, D), lambda i: (i, 0)),
                  pl.BlockSpec((NC, NB, D), lambda i: (0, i, 0)),
                  _full((RBF, D)), _full((D, D)), _full((1, D)), _full((D, D)),
                  _full((1, D)), _full((D, D)), _full((1, D)), _full((D, 8)), _full((1, 8))],
        out_specs=pl.BlockSpec((NB, 8), lambda i: (i, 0)),
        out_shape=jax.ShapeDtypeStruct((N, 8), jnp.float32),
    )(xs, ne2, Wr, W1, b1, W2, b2, W3, b3, Woutp, boutp)



def _np_consts():
    SEL = np.zeros((D, HEADS), np.float32)
    EXP8 = np.zeros((HEADS, D), np.float32)
    for h in range(HEADS):
        SEL[h * HD:(h + 1) * HD, h] = 1.0
        EXP8[h, h * HD:(h + 1) * HD] = 1.0
    A1 = np.zeros((N1, N1 * 3), np.float32)
    B1 = np.zeros((3, N1 * 3), np.float32)
    for cc in range(N1):
        for dd in range(3):
            A1[cc, cc * 3 + dd] = 1.0
            B1[dd, cc * 3 + dd] = 1.0
    A2 = np.zeros((N2, N2 * 5), np.float32)
    B2 = np.zeros((5, N2 * 5), np.float32)
    for cc in range(N2):
        for dd in range(5):
            A2[cc, cc * 5 + dd] = 1.0
            B2[dd, cc * 5 + dd] = 1.0
    R1c = np.zeros((16, D), np.float32)
    R2c = np.zeros((HEADS, D), np.float32)
    SS8 = np.zeros((D, HEADS), np.float32)
    for ss in range(16):
        for h in range(HEADS):
            R1c[ss, ss * 8 + h] = 1.0
            R2c[h, ss * 8 + h] = 1.0
            SS8[ss * 8 + h, h] = 1.0
    return (jnp.asarray(SEL), jnp.asarray(EXP8), jnp.asarray(A1), jnp.asarray(B1),
            jnp.asarray(A2), jnp.asarray(B2), jnp.asarray(R1c), jnp.asarray(R2c),
            jnp.asarray(SS8))


def kernel(x_scalar, x_vector, edge_index, node_rbf, rsh, edge_index_0,
           atom_batch, envelop_para, params):
    SEL, EXP8, A1, B1, A2, B2, R1c, R2c, SS8 = _np_consts()
    pad = EP - E
    src = edge_index[0]
    dst = edge_index[1]
    dstp = jnp.pad(dst, (0, pad)).reshape(NW, KE, CH)
    srcp = jnp.pad(src, (0, pad)).reshape(NW, KE, CH)
    ei0p = jnp.pad(edge_index_0[1], (0, pad)).reshape(NW, KE, CH)
    abp = jnp.pad(atom_batch, (0, AP - N)).reshape(NW, KA, CH)
    mask_p = (jnp.arange(EP, dtype=jnp.int32) < E).astype(jnp.float32)[:, None]
    rbf_p = jnp.pad(node_rbf, ((0, pad), (0, 0)))
    dstf = jnp.pad(dst, (0, pad))
    dm16 = (jnp.mod(dstf, 16)[:, None] == jnp.arange(16)[None, :]).astype(jnp.float32)
    ddiv = (dstf // 16).astype(jnp.float32)[:, None]
    rsh_p = jnp.pad(rsh, ((0, pad), (0, 0)))
    env_p = jnp.pad(envelop_para, (0, pad))[:, None]

    xs, xv = x_scalar, x_vector
    for p in params['layers']:
        Wcat = jnp.concatenate([p['Wq'], p['Wk'], p['Wv'], p['Wroot']], axis=1)
        Wg12 = jnp.concatenate([p['Wg1'], p['Wg2']], axis=1)
        M1 = jnp.kron(p['Wv1'], jnp.eye(3, dtype=jnp.float32))
        M2 = jnp.kron(p['Wv2'], jnp.eye(5, dtype=jnp.float32))
        eq3 = jnp.repeat(p['eq_g'][:N1], 3)[None, :]
        eq5 = jnp.repeat(p['eq_g'][N1:], 5)[None, :]
        consts = (M1, M2, A1.T, A2.T, A1, A2,
                  p['Wu1'], p['bu1'][None, :], p['Wu2'], p['bu2'][None, :],
                  p['ln_g'][None, :], p['ln_b'][None, :], eq3, eq5)

        q, kv, root = _tc_project(xs, Wcat)
        qg = _sc_gather(q, dstp, k_chunks=KE, row_w=D)
        kvg = _sc_gather(kv, srcp, k_chunks=KE, row_w=2 * D)
        ex, dtab = _tc_logits(qg, kvg, rbf_p, mask_p, dm16, ddiv,
                              p['Wrbf'], SEL, R1c, R2c)
        ms, vma, vmb, vmc = _tc_messages(ex, dtab, dm16, ddiv, kvg, rsh_p,
                                         env_p, Wg12, EXP8, A1, B1, A2, B2,
                                         R1c, SS8)
        ms2 = _sc_scatter_add(ms, dstp, k_chunks=KE, row_w=D, n_rows=NPAD)
        va2 = _sc_scatter_add(vma, dstp, k_chunks=KE, row_w=D, n_rows=NPAD)
        vb2 = _sc_scatter_add(vmb, dstp, k_chunks=KE, row_w=D, n_rows=NPAD)
        vc2 = _sc_scatter_add(vmc, dstp, k_chunks=KE, row_w=D, n_rows=NPAD)
        xs, xv = _tc_update(xs, xv, ms2, va2, vb2, vc2, root, consts)

    ro = params['readout']
    renv = _tc_renv(rbf_p, env_p)
    ne2 = _sc_scatter_add(renv, ei0p, k_chunks=KE, row_w=D, n_rows=NPAD)
    mlp = [(w, b[None, :]) for (w, b) in ro['mlp']]
    Woutp = jnp.pad(ro['Wout'], ((0, 0), (0, 7)))
    boutp = jnp.pad(ro['bout'], (0, 7))[None, :]
    res = _tc_readout(xs, ne2, ro['Wr'], mlp, Woutp, boutp)
    resp = jnp.pad(res, ((0, AP - N), (0, D - 8)))
    out2 = _sc_scatter_add(resp, abp, k_chunks=KA, row_w=D, n_rows=128)
    return (out2[0, :NUM_GRAPHS, 0] + out2[1, :NUM_GRAPHS, 0])

# --- scband reference (transcript-rebuilt; emitter-appended) ---
"""Pipeline reference for scband-se3-transformer-v2-23313082483608 (READ-ONLY COPY).

The authoritative reference and input builder live on the scoring server;
editing this copy changes nothing except your own understanding.
"""

import jax, jax.numpy as jnp
import numpy as np

N = 10000
E = 320000
D = 128
HEADS = 8
HD = D // HEADS
RBF = 20
N1 = 64
N2 = 32
VDIM = N1 * 3 + N2 * 5
LAYERS = 3
NUM_GRAPHS = 64

def _glorot(key, shape):
    return jax.random.normal(key, shape, dtype=jnp.float32) / np.sqrt(shape[0])

def _make_params(key):
    keys = jax.random.split(key, 64)
    ki = iter(range(64))
    layers = []
    for _ in range(LAYERS):
        p = {}
        p['Wq'] = _glorot(keys[next(ki)], (D, D))
        p['Wk'] = _glorot(keys[next(ki)], (D, D))
        p['Wv'] = _glorot(keys[next(ki)], (D, D))
        p['Wrbf'] = _glorot(keys[next(ki)], (RBF, D))
        p['Wg1'] = _glorot(keys[next(ki)], (D, N1))
        p['Wg2'] = _glorot(keys[next(ki)], (D, N2))
        p['Wroot'] = _glorot(keys[next(ki)], (D, D))
        p['Wv1'] = _glorot(keys[next(ki)], (N1, N1))
        p['Wv2'] = _glorot(keys[next(ki)], (N2, N2))
        p['Wu1'] = _glorot(keys[next(ki)], (D + N1 + N2, 2 * (D + N1 + N2)))
        p['bu1'] = jnp.zeros((2 * (D + N1 + N2),), jnp.float32)
        p['Wu2'] = _glorot(keys[next(ki)], (2 * (D + N1 + N2), D + N1 + N2))
        p['bu2'] = jnp.zeros((D + N1 + N2,), jnp.float32)
        p['ln_g'] = jnp.ones((D,), jnp.float32)
        p['ln_b'] = jnp.zeros((D,), jnp.float32)
        p['eq_g'] = jnp.ones((N1 + N2,), jnp.float32)
        layers.append(p)
    ro = {}
    ro['Wr'] = _glorot(keys[next(ki)], (RBF, D))
    ro['mlp'] = [(_glorot(keys[next(ki)], (D, D)), jnp.zeros((D,), jnp.float32)) for _ in range(3)]
    ro['Wout'] = _glorot(keys[next(ki)], (D, 1))
    ro['bout'] = jnp.zeros((1,), jnp.float32)
    return {'layers': layers, 'readout': ro}

def _silu(x):
    return x * jax.nn.sigmoid(x)

def _seg_softmax(logits, seg, num_segments):
    m = jax.ops.segment_max(logits, seg, num_segments=num_segments)
    m = jax.lax.stop_gradient(jnp.where(jnp.isfinite(m), m, 0.0))
    ex = jnp.exp(logits - m[seg])
    denom = jax.ops.segment_sum(ex, seg, num_segments=num_segments)
    return ex / (denom[seg] + 1e-16)

def _message(p, xs, xv, src, dst, rbf, rsh, env):
    q = (xs @ p['Wq']).reshape(N, HEADS, HD)
    k = (xs @ p['Wk']).reshape(N, HEADS, HD)
    v = (xs @ p['Wv']).reshape(N, HEADS, HD)
    re = (rbf @ p['Wrbf']).reshape(E, HEADS, HD)
    logits = jnp.sum(q[dst] * k[src] * re, axis=-1) / np.sqrt(HD)
    attn = _seg_softmax(logits, dst, N) * env[:, None]
    ms_e = (attn[:, :, None] * v[src]).reshape(E, D)
    new_s = jax.ops.segment_sum(ms_e, dst, num_segments=N) + xs @ p['Wroot']
    g1 = ms_e @ p['Wg1']
    g2 = ms_e @ p['Wg2']
    vm1 = (g1[:, :, None] * rsh[:, None, 0:3]).reshape(E, N1 * 3)
    vm2 = (g2[:, :, None] * rsh[:, None, 3:8]).reshape(E, N2 * 5)
    agg1 = jax.ops.segment_sum(vm1, dst, num_segments=N).reshape(N, N1, 3)
    agg2 = jax.ops.segment_sum(vm2, dst, num_segments=N).reshape(N, N2, 5)
    xv1 = xv[:, :N1 * 3].reshape(N, N1, 3)
    xv2 = xv[:, N1 * 3:].reshape(N, N2, 5)
    nv1 = agg1 + jnp.einsum('ncd,ce->ned', xv1, p['Wv1'])
    nv2 = agg2 + jnp.einsum('ncd,ce->ned', xv2, p['Wv2'])
    new_v = jnp.concatenate([nv1.reshape(N, -1), nv2.reshape(N, -1)], axis=1)
    return new_s, new_v

def _update(p, xs, xv):
    v1 = xv[:, :N1 * 3].reshape(N, N1, 3)
    v2 = xv[:, N1 * 3:].reshape(N, N2, 5)
    n1 = jnp.sqrt(jnp.sum(v1 ** 2, axis=-1) + 1e-8)
    n2 = jnp.sqrt(jnp.sum(v2 ** 2, axis=-1) + 1e-8)
    h = jnp.concatenate([xs, n1, n2], axis=1)
    h = _silu(h @ p['Wu1'] + p['bu1'])
    h = h @ p['Wu2'] + p['bu2']
    s_out = h[:, :D]
    gates = jax.nn.sigmoid(h[:, D:])
    v1 = v1 * gates[:, :N1][:, :, None]
    v2 = v2 * gates[:, N1:][:, :, None]
    return s_out, jnp.concatenate([v1.reshape(N, -1), v2.reshape(N, -1)], axis=1)

def _scalar_ln(p, x):
    mu = jnp.mean(x, axis=-1, keepdims=True)
    var = jnp.var(x, axis=-1, keepdims=True)
    return (x - mu) / jnp.sqrt(var + 1e-8) * p['ln_g'] + p['ln_b']

def _equi_ln(p, xv):
    v1 = xv[:, :N1 * 3].reshape(N, N1, 3)
    v2 = xv[:, N1 * 3:].reshape(N, N2, 5)
    msq = (jnp.sum(v1 ** 2, axis=(1, 2)) + jnp.sum(v2 ** 2, axis=(1, 2))) / (N1 + N2)
    rms = jnp.sqrt(msq + 1e-8)
    v1 = v1 / rms[:, None, None] * p['eq_g'][:N1][None, :, None]
    v2 = v2 / rms[:, None, None] * p['eq_g'][N1:][None, :, None]
    return jnp.concatenate([v1.reshape(N, -1), v2.reshape(N, -1)], axis=1)

def _readout(ro, xs, rbf, ei0, env):
    e = (rbf * env[:, None]) @ ro['Wr']
    node_e = jax.ops.segment_sum(e, ei0[1], num_segments=N)
    h = xs + node_e
    for W, b in ro['mlp']:
        h = _silu(h @ W + b)
    return h @ ro['Wout'] + ro['bout']

def _forward(x_scalar, x_vector, edge_index, node_rbf, rsh, edge_index_0, atom_batch, envelop_para, params):
    src = edge_index[0]
    dst = edge_index[1]
    xs, xv = x_scalar, x_vector
    for p in params['layers']:
        rs, rv = xs, xv
        xs, xv = _message(p, xs, xv, src, dst, node_rbf, rsh, envelop_para)
        xs, xv = _update(p, xs, xv)
        xs = _scalar_ln(p, xs)
        xv = _equi_ln(p, xv)
        xs = xs + rs
        xv = xv + rv
    res = _readout(params['readout'], xs, node_rbf, edge_index_0, envelop_para)
    out = jax.ops.segment_sum(res, atom_batch, num_segments=NUM_GRAPHS)
    return out.reshape(-1)

def setup_inputs(seed: int = 0):
    key = jax.random.key(seed)
    ks = jax.random.split(key, 9)
    x_scalar = jax.random.normal(ks[0], (N, D), dtype=jnp.float32)
    x_vector = jax.random.normal(ks[1], (N, VDIM), dtype=jnp.float32)
    edge_index = jax.random.randint(ks[2], (2, E), 0, N, dtype=jnp.int32)
    node_rbf = jax.random.uniform(ks[3], (E, RBF), dtype=jnp.float32)
    rsh = jax.random.normal(ks[4], (E, 8), dtype=jnp.float32)
    edge_index_0 = jax.random.randint(ks[5], (2, E), 0, N, dtype=jnp.int32)
    atom_batch = jnp.sort(jax.random.randint(ks[6], (N,), 0, NUM_GRAPHS, dtype=jnp.int32))
    atom_batch = atom_batch.at[-1].set(NUM_GRAPHS - 1)
    envelop_para = jax.random.uniform(ks[7], (E,), dtype=jnp.float32)
    params = _make_params(ks[8])
    return {'x_scalar': x_scalar, 'x_vector': x_vector, 'edge_index': edge_index, 'node_rbf': node_rbf, 'rsh': rsh, 'edge_index_0': edge_index_0, 'atom_batch': atom_batch, 'envelop_para': envelop_para, 'params': params}

def reference(x_scalar, x_vector, edge_index, node_rbf, rsh, edge_index_0, atom_batch, envelop_para, params):
    return _forward(x_scalar, x_vector, edge_index, node_rbf, rsh, edge_index_0, atom_batch, envelop_para, params)

if __name__ == "__main__":
    import jax
    _d = setup_inputs()
    print(jax.jit(kernel)(*tuple(_d.values())))

</pallas_src>

<mosaic_0001>
#map = affine_map<(d0, d1) -> (0, 0)>
#map1 = affine_map<(d0, d1) -> (0, 0, 0)>
module attributes {stable_mosaic.version = 14 : i64} {
  func.func @k(%arg0: i32, %arg1: i32, %arg2: memref<10000x128xf32, #tpu.memory_space<hbm>>, %arg3: memref<32x79x128xi32, #tpu.memory_space<hbm>>, %arg4: memref<323584x128xf32, #tpu.memory_space<hbm>>, %arg5: memref<79x128xi32, #tpu.memory_space<vmem>>, %arg6: memref<128x128xf32, #tpu.memory_space<vmem>>, %arg7: memref<!tpu.dma_semaphore, #tpu.memory_space<semaphore_mem>>) attributes {dimension_semantics = [#tpu.dimension_semantics<core_parallel>, #tpu.dimension_semantics<subcore_parallel>], iteration_bounds = array<i64: 2, 16>, scalar_prefetch = 0 : i64, scratch_operands = 3 : i64, tpu.core_type = #tpu.core_type<sc_vector_subcore>, window_params = [{transform_indices = #map}, {transform_indices = #map1}, {transform_indices = #map}]} {
    %mul3A = arith.constant 2 : i32
    %mul3A_0 = arith.muli %arg1, %mul3A : i32
    %add3A = arith.addi %mul3A_0, %arg0 : i32
    "tpu.region"() ({
      %run_scoped3A = tpu.sem_alloc : memref<!tpu.dma_semaphore, #tpu.memory_space<semaphore_mem>>
      %dma_start3A = arith.constant 0 : i32
      %dma_start3A_10 = arith.constant 0 : i32
      %dma_start3A_11 = tpu.memref_slice %arg3[%add3A, %dma_start3A, %dma_start3A_10] : memref<32x79x128xi32, #tpu.memory_space<hbm>> -> memref<1x79x128xi32, #tpu.memory_space<hbm>>
      %dma_start3A_12 = tpu.memref_squeeze %dma_start3A_11 : memref<1x79x128xi32, #tpu.memory_space<hbm>> -> memref<79x128xi32, #tpu.memory_space<hbm>>
      %dma_start3A_13 = arith.constant 0 : i32
      %dma_start3A_14 = arith.constant 0 : i32
      %dma_start3A_15 = tpu.memref_slice %arg3[%add3A, %dma_start3A_13, %dma_start3A_14] : memref<32x79x128xi32, #tpu.memory_space<hbm>> -> memref<1x79x128xi32, #tpu.memory_space<hbm>>
      %dma_start3A_16 = tpu.memref_squeeze %dma_start3A_15 : memref<1x79x128xi32, #tpu.memory_space<hbm>> -> memref<79x128xi32, #tpu.memory_space<hbm>>
      tpu.enqueue_dma source(%dma_start3A_16 : memref<79x128xi32, #tpu.memory_space<hbm>>) target(%arg5 : memref<79x128xi32, #tpu.memory_space<vmem>>) target_semaphore(%run_scoped3A : memref<!tpu.dma_semaphore, #tpu.memory_space<semaphore_mem>>)
      %dma_wait3A = arith.constant 0 : i32
      %dma_wait3A_17 = arith.constant 0 : i32
      %dma_wait3A_18 = tpu.memref_slice %arg3[%add3A, %dma_wait3A, %dma_wait3A_17] : memref<32x79x128xi32, #tpu.memory_space<hbm>> -> memref<1x79x128xi32, #tpu.memory_space<hbm>>
      %dma_wait3A_19 = tpu.memref_squeeze %dma_wait3A_18 : memref<1x79x128xi32, #tpu.memory_space<hbm>> -> memref<79x128xi32, #tpu.memory_space<hbm>>
      %dma_wait3A_20 = arith.constant 0 : i32
      %dma_wait3A_21 = arith.constant 0 : i32
      %dma_wait3A_22 = tpu.memref_slice %arg3[%add3A, %dma_wait3A_20, %dma_wait3A_21] : memref<32x79x128xi32, #tpu.memory_space<hbm>> -> memref<1x79x128xi32, #tpu.memory_space<hbm>>
      %dma_wait3A_23 = tpu.memref_squeeze %dma_wait3A_22 : memref<1x79x128xi32, #tpu.memory_space<hbm>> -> memref<79x128xi32, #tpu.memory_space<hbm>>
      tpu.wait_dma2 semaphore(%run_scoped3A : memref<!tpu.dma_semaphore, #tpu.memory_space<semaphore_mem>>) src(%dma_wait3A_23 : memref<79x128xi32, #tpu.memory_space<hbm>>) dst(%arg5 : memref<79x128xi32, #tpu.memory_space<vmem>>)
      tpu.yield
    }) : () -> ()
    %mul3A_1 = arith.constant 79 : i32
    %mul3A_2 = arith.muli %add3A, %mul3A_1 : i32
    %mul3A_3 = arith.constant 128 : i32
    %mul3A_4 = arith.muli %mul3A_2, %mul3A_3 : i32
    %scan3A = arith.constant 0 : i32
    %scan3A_5 = arith.constant 0 : i32
    %scan3A_6 = arith.constant 79 : i32
    %scan3A_7 = arith.addi %scan3A_5, %scan3A_6 : i32
    %scan3A_8 = arith.constant 1 : i32
    scf.for %scan3A_10 = %scan3A_5 to %scan3A_7 step %scan3A_8  : i32 {
      %dma_start3A = arith.constant 0 : i32
      %dma_start3A_11 = tpu.memref_slice %arg5[%scan3A_10, %dma_start3A] : memref<79x128xi32, #tpu.memory_space<vmem>> -> memref<1x128xi32, #tpu.memory_space<vmem>>
      %dma_start3A_12 = tpu.memref_squeeze %dma_start3A_11 : memref<1x128xi32, #tpu.memory_space<vmem>> -> memref<128xi32, #tpu.memory_space<vmem>>
      %dma_start3A_13 = arith.constant 0 : i32
      %dma_start3A_14 = arith.constant 0 : i32
      %dma_start3A_15 = tpu.memref_slice %arg2[%dma_start3A_13, %dma_start3A_14] : memref<10000x128xf32, #tpu.memory_space<hbm>> -> memref<10000x128xf32, #tpu.memory_space<hbm>>
      tpu.enqueue_indirect_dma source(%dma_start3A_15 : memref<10000x128xf32, #tpu.memory_space<hbm>>) target(%arg6 : memref<128x128xf32, #tpu.memory_space<vmem>>) offsets(%dma_start3A_12 : memref<128xi32, #tpu.memory_space<vmem>>) semaphore(%arg7 : memref<!tpu.dma_semaphore, #tpu.memory_space<semaphore_mem>>)
      %dma_wait3A = arith.constant 0 : i32
      %dma_wait3A_16 = tpu.memref_slice %arg5[%scan3A_10, %dma_wait3A] : memref<79x128xi32, #tpu.memory_space<vmem>> -> memref<1x128xi32, #tpu.memory_space<vmem>>
      %dma_wait3A_17 = tpu.memref_squeeze %dma_wait3A_16 : memref<1x128xi32, #tpu.memory_space<vmem>> -> memref<128xi32, #tpu.memory_space<vmem>>
      %dma_wait3A_18 = arith.constant 0 : i32
      %dma_wait3A_19 = arith.constant 0 : i32
      %dma_wait3A_20 = tpu.memref_slice %arg2[%dma_wait3A_18, %dma_wait3A_19] : memref<10000x128xf32, #tpu.memory_space<hbm>> -> memref<10000x128xf32, #tpu.memory_space<hbm>>
      tpu.wait_indirect_dma semaphore(%arg7 : memref<!tpu.dma_semaphore, #tpu.memory_space<semaphore_mem>>) src(%dma_wait3A_20 : memref<10000x128xf32, #tpu.memory_space<hbm>>) dst(%arg6 : memref<128x128xf32, #tpu.memory_space<vmem>>)
      %mul3A_21 = arith.constant 128 : i32
      %mul3A_22 = arith.muli %scan3A_10, %mul3A_21 : i32
      %add3A_23 = arith.addi %mul3A_4, %mul3A_22 : i32
      "tpu.region"() ({
        %run_scoped3A = tpu.sem_alloc : memref<!tpu.dma_semaphore, #tpu.memory_space<semaphore_mem>>
        %dma_start3A_24 = arith.constant 0 : i32
        %dma_start3A_25 = tpu.memref_slice %arg4[%add3A_23, %dma_start3A_24] : memref<323584x128xf32, #tpu.memory_space<hbm>> -> memref<128x128xf32, #tpu.memory_space<hbm>>
        %dma_start3A_26 = arith.constant 0 : i32
        %dma_start3A_27 = tpu.memref_slice %arg4[%add3A_23, %dma_start3A_26] : memref<323584x128xf32, #tpu.memory_space<hbm>> -> memref<128x128xf32, #tpu.memory_space<hbm>>
        tpu.enqueue_dma source(%arg6 : memref<128x128xf32, #tpu.memory_space<vmem>>) target(%dma_start3A_27 : memref<128x128xf32, #tpu.memory_space<hbm>>) target_semaphore(%run_scoped3A : memref<!tpu.dma_semaphore, #tpu.memory_space<semaphore_mem>>)
        %dma_wait3A_28 = arith.constant 0 : i32
        %dma_wait3A_29 = tpu.memref_slice %arg4[%add3A_23, %dma_wait3A_28] : memref<323584x128xf32, #tpu.memory_space<hbm>> -> memref<128x128xf32, #tpu.memory_space<hbm>>
        %dma_wait3A_30 = arith.constant 0 : i32
        %dma_wait3A_31 = tpu.memref_slice %arg4[%add3A_23, %dma_wait3A_30] : memref<323584x128xf32, #tpu.memory_space<hbm>> -> memref<128x128xf32, #tpu.memory_space<hbm>>
        tpu.wait_dma2 semaphore(%run_scoped3A : memref<!tpu.dma_semaphore, #tpu.memory_space<semaphore_mem>>) src(%arg6 : memref<128x128xf32, #tpu.memory_space<vmem>>) dst(%dma_wait3A_31 : memref<128x128xf32, #tpu.memory_space<hbm>>)
        tpu.yield
      }) : () -> ()
    }
    %scan3A_9 = arith.constant 79 : i32
    return
  }
}

</mosaic_0001>

<sc_bundles>
// kernel: _sc_gather.3.cloned.1.call-start
scs
__scs_entry_jumppad:
0x0: {  	(pc) =	sbr.rel $0x88, $3  }
0x1: {  	(tag) =	ssettag $0x0;
	lr =	simm.s32 $0x1  }
0x2: {  	[smem:$0x3F9F] =	sst lr;
	_ =	strace $0xD0000000  }
0x3: {  	_ = 	snop  }
0x4: {  	_ = 	snop  }
0x5: {  	_ = 	snop  }
0x6: {  	_ = 	snop  }
0x7: {  	_ = 	snop  }
__scs_overlays_trampoline_lowered:
0x8: {  	[smem:$0x3FAE] =	sst s0  }
0x9: {  	[smem:$0x3FAF] =	sst s1  }
0xa: {  	[smem:$0x3FB0] =	sst s2  }
0xb: {  	[smem:$0x3FB1] =	sst s3  }
0xc: {  	[smem:$0x3FB2] =	sst s4  }
0xd: {  	[smem:$0x3FB3] =	sst s5  }
0xe: {  	[smem:$0x3FB4] =	sst s6  }
0xf: {  	[smem:$0x3FB5] =	sst s7  }
0x10: {  	[smem:$0x3FB6] =	sst s8  }
0x11: {  	[smem:$0x3FB7] =	sst s9;
	s0 =	simm.s32 @!p0 $0x0  }
0x12: {  	s1 =	sld [smem:$0x3F9D];
	s0 =	simm.s32 @p0 $0x1  }
0x13: {  	[smem:$0x3FB8] =	sst s0;
	s0 =	simm.s32 @!p1 $0x0  }
0x14: {  	s2 =	sld [smem:$0x3F9C];
	s0 =	simm.s32 @p1 $0x1  }
0x15: {  	[smem:$0x3FB9] =	sst s0;
	s0 =	simm.s32 @!p2 $0x0  }
0x16: {  	s3 =	sld [smem:$0x3FDB];
	s0 =	simm.s32 @p2 $0x1  }
0x17: {  	s4 =	simm.s32 $0x1BF5;
	[smem:$0x3FBB] =	sst s0  }
0x18: {  	s0 =	sld [smem:$0x3F9E];
	_ =	swait.ge [sflag:s4], $0x0  }
0x19: {  	s7 =	sld [smem:$0x3F9F]  }
0x1a: {  	s8 =	sadd.s32 $0xFFFFE003, lr  }
0x1b: {  	s9 =	sadd.s32 $0xFFFFFEF7, lr;
	s5 =	simm.s32 $0xFFFFFFFF;
	p2 =	slt.u32 s8, $0xFFFFF086  }
0x1c: {  	p1 =	slt.u32 s9, $0xF7A;
	s5 =	simm.s32 @!p2 $0x0  }
0x1d: {  	s5 =	simm.s32 @p1 $0x1;
	p0 =	seq.s32 s7, s2  }
0x1e: {  	s7 =	smul.u32 @!p0 $0xF7A, s2;
	p2 =	seq.s32 @!p0 s5, $0x0  }
0x1f: {  	s9 =	smul.u32 $0xF7A, s1;
	s8 =	simm.s32 @!p0 $0x1BF5;
	p2 =	por !p2, p0  }
0x20: {  	[sflag:s8] =	ssyncset.s32 @!p0 $0xFFFFF086;
	s6 =	sadd.s32 @!p0 s3, s7;
	s7 =	simm.s32 @!p0 $0x108  }
0x21: {  	s3 =	sadd.s32 s3, s9;
	s6 =	sadd.s32 @!p0 $0x88, s6;
	s7 =	simm.s32 @p2 $0x1082  }
0x22: {  	[simem:s7], [sflag:s8] =	dma.local @!p0 [hbm:s6], $0xF7A  }
0x23: {  	s9 =	sor.u32 $0xD0000000, s2;
	s6 =	simm.s32 $0x108;
	_ =	swait.ge @!p0 [sflag:s8], $0x0  }
0x24: {  	s3 =	sadd.s32 $0x88, s3;
	s6 =	simm.s32 @!p1 $0x1082;
	[sflag:s4] =	ssyncset.s32 $0xFFFFF086  }
0x25: {  	[simem:s6], [sflag:s4] =	dma.local [hbm:s3], $0xF7A  }
0x26: {  	[smem:$0x3F9F] =	sst s1;
	(tag) =	ssettag s2;
	_ =	strace s9  }
0x27: {  	s1 =	sld [smem:$0x3FAF]  }
0x28: {  	s2 =	sld [smem:$0x3FB0]  }
0x29: {  	s4 =	sld [smem:$0x3FB2]  }
0x2a: {  	p0 =	seq.s32 s5, $0x0;
	s5 =	sld [smem:$0x3FB3]  }
0x2b: {  	s6 =	sld [smem:$0x3FB4]  }
0x2c: {  	s7 =	sld [smem:$0x3FB5]  }
0x2d: {  	s3 =	simm.s32 $0x108;
	s8 =	sld [smem:$0x3FB6]  }
0x2e: {  	s3 =	simm.s32 @!p0 $0x1082;
	s9 =	sld [smem:$0x3FB7]  }
0x2f: {  	lr =	sadd.s32 s0, s3;
	s0 =	sld [smem:$0x3FAE]  }
0x30: {  	s3 =	sld [smem:$0x3FB1]  }
0x31: {  	[smem:$0x3FBA] =	sst s10  }
0x32: {  	s10 =	sld [smem:$0x3FB8];
	_ =	sdelay $0x3  }
0x33: {  	p0 =	seq.s32 s10, $0x1;
	s10 =	sld [smem:$0x3FBA];
	_ =	sdelay $0x3  }
0x34: {  	[smem:$0x3FBA] =	sst s10  }
0x35: {  	s10 =	sld [smem:$0x3FB9];
	_ =	sdelay $0x3  }
0x36: {  	p1 =	seq.s32 s10, $0x1;
	s10 =	sld [smem:$0x3FBA];
	_ =	sdelay $0x3  }
0x37: {  	[smem:$0x3FBA] =	sst s10  }
0x38: {  	s10 =	sld [smem:$0x3FBB]  }
0x39: {  	_ = 	snop;
	(pc) =	sbr.ind lr, $3  }
0x3a: {  	_ = 	snop  }
0x3b: {  	_ = 	snop  }
0x3c: {  	p2 =	seq.s32 s10, $0x1;
	s10 =	sld [smem:$0x3FBA]  }
0x3d: {  	_ =	shalt  }
0x3e: {  	_ =	shalt  }
0x3f: {  	_ =	shalt  }
0x40: {  	_ =	shalt  }
0x41: {  	_ =	shalt  }
0x42: {  	_ =	shalt  }
0x43: {  	_ =	shalt  }
0x44: {  	_ =	shalt  }
0x45: {  	_ =	shalt  }
0x46: {  	_ =	shalt  }
0x47: {  	_ =	shalt  }
0x48: {  	_ =	shalt  }
0x49: {  	_ =	shalt  }
0x4a: {  	_ =	shalt  }
0x4b: {  	_ =	shalt  }
0x4c: {  	_ =	shalt  }
0x4d: {  	_ =	shalt  }
0x4e: {  	_ =	shalt  }
0x4f: {  	_ =	shalt  }
0x50: {  	_ =	shalt  }
0x51: {  	_ =	shalt  }
0x52: {  	_ =	shalt  }
0x53: {  	_ =	shalt  }
0x54: {  	_ =	shalt  }
0x55: {  	_ =	shalt  }
0x56: {  	_ =	shalt  }
0x57: {  	_ =	shalt  }
0x58: {  	_ =	shalt  }
0x59: {  	_ =	shalt  }
0x5a: {  	_ =	shalt  }
0x5b: {  	_ =	shalt  }
0x5c: {  	_ =	shalt  }
0x5d: {  	_ =	shalt  }
0x5e: {  	_ =	shalt  }
0x5f: {  	_ =	shalt  }
0x60: {  	_ =	shalt  }
0x61: {  	_ =	shalt  }
0x62: {  	_ =	shalt  }
0x63: {  	_ =	shalt  }
0x64: {  	_ =	shalt  }
0x65: {  	_ =	shalt  }
0x66: {  	_ =	shalt  }
0x67: {  	_ =	shalt  }
0x68: {  	_ =	shalt  }
0x69: {  	_ =	shalt  }
0x6a: {  	_ =	shalt  }
0x6b: {  	_ =	shalt  }
0x6c: {  	_ =	shalt  }
0x6d: {  	_ =	shalt  }
0x6e: {  	_ =	shalt  }
0x6f: {  	_ =	shalt  }
0x70: {  	_ =	shalt  }
0x71: {  	_ =	shalt  }
0x72: {  	_ =	shalt  }
0x73: {  	_ =	shalt  }
0x74: {  	_ =	shalt  }
0x75: {  	_ =	shalt  }
0x76: {  	_ =	shalt  }
0x77: {  	_ =	shalt  }
0x78: {  	_ =	shalt  }
0x79: {  	_ =	shalt  }
0x7a: {  	_ =	shalt  }
0x7b: {  	_ =	shalt  }
0x7c: {  	_ =	shalt  }
0x7d: {  	_ =	shalt  }
0x7e: {  	_ =	shalt  }
0x7f: {  	_ =	shalt  }
0x80: {  	_ =	shalt  }
0x81: {  	_ =	shalt  }
0x82: {  	_ =	shalt  }
0x83: {  	_ =	shalt  }
0x84: {  	_ =	shalt  }
0x85: {  	_ =	shalt  }
0x86: {  	_ =	shalt  }
0x87: {  	_ =	shalt  }
.Lfunc_end0:
.L_simem_size_0:
called_computation_lowered:
.L_overlay_start_0:
0x88: {  	s2 =	sld [smem:$0x3FD9]  }
0x89: {  	s3 =	sld [smem:$0x3FFE];
	_ =	sdelay $0x1  }
0x8a: {  	s1 =	srdreg.scid  }
0x8b: {  	s0 =	sand.u32 $0x1, s1  }
0x8c: {  	s17 =	sshll.u32 s0, $0xA;
	s2 =	sadd.s32 s3, s2  }
0x8d: {  	s2 =	sadd.s32 s2, s17  }
0x8e: {  	[smem:$0x3FC6] =	sst s2  }
0x8f: {  	_ = 	snop  }
0x90: {  	s2 =	sld [smem:$0x3FC9]  }
0x91: {  	s18 =	sld [smem:$0x3FD0];
	(tm) =	ssettm $0x1  }
0x92: {  	s4 =	sld [smem:$0x3FFB];
	_ =	sdelay $0x3  }
0x93: {  	_ =	strace s4  }
0x94: {  	s4 =	sld [smem:$0x3FFC];
	_ =	sdelay $0x3  }
0x95: {  	_ =	strace s4  }
0x96: {  	s4 =	sld [smem:$0x3FFD];
	_ =	sdelay $0x3  }
0x97: {  	_ =	strace s4  }
0x98: {  	_ =	strace $0x8FFFFFFF  }
0x99: {  	s19 =	sld [smem:$0x3FDB];
	_ =	sdelay $0x1  }
0x9a: {  	s5 =	simm.s32 $_scs_section_size  }
0x9b: {  	s6 =	simm.s32 $_size__tile_overlayer_lowered;
	s7 =	simm.s32 $_tile_overlayer_lowered  }
0x9c: {  	s22 =	simm.s32 $0x1BFF;
	s21 =	sshll.u32 s7, $0x1;
	s4 =	sadd.s32 s5, s19  }
0x9d: {  	s8 =	simm.s32 $0x0;
	s20 =	sshll.u32 s6, $0x1;
	s6 =	sadd.s32 s21, s4  }
0x9e: {  	[timem:s8], [sflag:s22] =	dma.local [hbm:s6], s20  }
0x9f: {  	_ =	swait.ge [sflag:s22], s20  }
0xa0: {  	s5 =	ssub.s32 $0x0, s20;
	[sflag:s22] =	ssyncset.done $0x0  }
0xa1: {  	[sflag:s22] =	ssyncadd.s32 s5;
	_ =	sdelay $0x1  }
0xa2: {  	s23 =	simm.s32 $0x1B8B  }
0xa3: {  	_ =	swait.ge [sflag:s23], $0x1  }
0xa4: {  	[sflag:s23] =	ssyncset.done $0x0  }
0xa5: {  	s25 =	simm.s32 $0x1B8E;
	s24 =	sld [smem:$0x3FFE];
	[sflag:s23] =	ssyncadd.s32 $0xFFFFFFFF  }
0xa6: {  	s26 =	simm.s32 $execute0_lowered;
	[smem:$0x3FD2] =	sst s25  }
0xa7: {  	s6 =	sshll.u32 s26, $0x1;
	_ =	strace $0x80000046;
	[dreg:$0x1] =	wrdreg $0xFFFFFFFF  }
0xa8: {  	s28 =	simm.s32 $_size_execute0_lowered;
	s4 =	sadd.s32 s4, s6;
	[dreg:$0x0] =	wrdreg $0x0  }
0xa9: {  	s6 =	sshll.u32 s28, $0x1;
	[dreg:$0x2] =	wrdreg s4  }
0xaa: {  	[dreg:$0x3] =	wrdreg s6  }
0xab: {  	[dreg:$0x4] =	wrdreg $0xC0  }
0xac: {  	_ =	task [dreg:s8], $0x5FFFF  }
0xad: {  	[dreg:$0x1] =	wrdreg $0xFFFFFFFF  }
0xae: {  	[dreg:$0x0] =	wrdreg $0x60  }
0xaf: {  	[dreg:$0x2] =	wrdreg s2  }
0xb0: {  	[dreg:$0x3] =	wrdreg s24  }
0xb1: {  	[dreg:$0x4] =	wrdreg s18  }
0xb2: {  	[dreg:$0x5] =	wrdreg $0x9  }
0xb3: {  	_ =	task.clear_ibuf [dreg:s8], $0x6FFFF;
	_ =	strace $0x90000046  }
0xb4: {  	s29 =	simm.s32 $0x9;
	_ =	strace $0x80000048  }
0xb5: {  	_ =	swait.ge [sflag:s29], $0x1  }
0xb6: {  	[sflag:s29] =	ssyncadd.s32 $0xFFFFFFFF  }
0xb7: {  	_ =	strace $0x90000048  }
0xb8: {  	_ =	sfence  }
0xb9: {  	s30 =	sld [smem:$0x0];
	_ =	sdelay $0x2  }
0xba: {  	s31 =	sshll.u32 s1, $0xD;
	s1 =	sshrl.u32 s1, $0x2  }
0xbb: {  	s3 =	sand.u32 $0x4000, s31;
	s1 =	sadd.s32 s1, s30  }
0xbc: {  	s0 =	sor.u32 s3, s0;
	s1 =	sshll.u32 s1, $0x11  }
0xbd: {  	s0 =	sor.u32 s1, s0  }
0xbe: {  	s0 =	sadd.s32 $0x8F2B, s0  }
0xbf: {  	[sflag:s0] =	ssyncadd.remote.s32 $0x1  }
0xc0: {  	_ =	sfence.sel $0xFFFF  }
0xc1: {  	[dreg:$0x0] =	wrdreg $0xFFFFFFFF;
	(pc) =	sbr.abs _section_cstart, $3  }
0xc2: {  	[dreg:$0x1] =	wrdreg $0xFFFFFFFF  }
0xc3: {  	_ =	task.clear_ibuf [dreg:s8], $0x2FFFF;
	_ =	strace $0x9FFFFFFF  }
0xc4: {  	(tm) =	ssettm $0x7FFFFFFF  }
0xc5: {  	_ =	shalt  }
tec
execute0_lowered:
.L_overlay_start_1:
0x0: {  	(tag) =	ssettag $0x1  }
0x1: {  	s1 =	rddreg [dreg:$0x0]  }
0x2: {  	s4 =	rddreg [dreg:$0x1]  }
0x3: {  	s2 =	srdreg.scid;
	s0 =	stileid.u32  }
0x4: {  	s6 =	rddreg [dreg:$0x2];
	s3 =	simm.s32 $0x0;
	s11 =	simm.s32 $0x0  }
0x5: {  	s5 =	sand.u32 $0x1, s2;
	s7 =	sshll.u32 s0, $0x1;
	s2 =	rddreg [dreg:$0x3]  }
0x6: {  	[smem:$0x7FF] =	sst s3;
	s10 =	smul.u32 $0x4F000, s0;
	s7 =	sor.u32 s5, s7  }
0x7: {  	s8 =	ssub.s32 $0x2, s5;
	_ =	strace $0x80000047;
	s31 =	smul.u32 $0x27800, s5  }
0x8: {  	s7 =	smul.u32 $0x500, s7;
	s9 =	sshrl.u32 s8, $0x1;
	s6 =	sadd.s32 s10, s6  }
0x9: {  	s10 =	simm.s32 $0x1;
	s30 =	ssub.s32 s8, s9;
	s6 =	sadd.s32 s31, s6  }
0xa: {  	s8 =	simm.s32 $0x80;
	s9 =	simm.s32 $0x2800;
	s4 =	sadd.s32 s7, s4  }
0xb: {  	s5 =	smax.u32 s30, $0x1;
	s7 =	simm.s32 $0x2;
	s4 =	sadd.s32 $0x400, s4  }
.LBB2_1:
0xc: {  	[tilespmem:s3], [sflag:$0x2] =	stream.linear.gather [hbm4b:s4+s3], $0x2780, $0x38;
	[tilespmem:$0x6800] =	vst v63  }
0xd: {  	_ =	swait.ge [sflag:s7], $0x2780  }
0xe: {  	[sflag:s7] =	ssyncset.done $0x0  }
0xf: {  	s12 =	simm.s32 $0x0;
	[sflag:s7] =	ssyncadd.s32 $0xFFFFD880  }
0x10: {  	[tilespmem:s9], [sflag:$0x1] =	stream.indirect.gather [hbm4b:s1+s8], $0x80, s12, s8, $0xb8;
	[tilespmem:$0x6800] =	vst v63  }
0x11: {  	_ =	swait.ge [sflag:s10], $0x4000  }
0x12: {  	[sflag:s10] =	ssyncset.done $0x0  }
0x13: {  	[sflag:s10] =	ssyncadd.s32 $0xFFFFC000  }
0x14: {  	[hbm4b:s6+s3] =	stream.linear.scatter [tilespmem:s9], [sflag:$0x2], $0x4000, $0x38;
	[tilespmem:$0x6800] =	vst v63  }
0x15: {  	s13 =	simm.s32 $0x200;
	_ =	swait.ge [sflag:s7], $0x4000  }
0x16: {  	s14 =	simm.s32 $0x400;
	s12 =	sadd.s32 $0x800, s6;
	[sflag:s7] =	ssyncset.done $0x0  }
.LBB2_2:
0x17: {  	s15 =	sshra.s32 s13, $0x2  }
0x18: {  	[sflag:s7] =	ssyncadd.s32 $0xFFFFC000;
	s13 =	smov.u32 s14;
	s16 =	sadd.s32 $0x200, s14  }
0x19: {  	[tilespmem:s9], [sflag:$0x1] =	stream.indirect.gather [hbm4b:s1+s8], $0x80, s15, s8, $0xb8;
	[tilespmem:$0x6800] =	vst v63  }
0x1a: {  	p0 =	sne.s32 s14, $0x9C00;
	_ =	swait.ge [sflag:s10], $0x4000  }
.Ltmp0:
0x1b: {  	[sflag:s10] =	ssyncset.done $0x0;
	(pc) =	sbr.rel @p0 .LBB2_2-.Ltmp0, $4  }
0x1c: {  	[sflag:s10] =	ssyncadd.s32 $0xFFFFC000  }
0x1d: {  	[hbm4b:s12+s3] =	stream.linear.scatter [tilespmem:s9], [sflag:$0x2], $0x4000, $0x38;
	[tilespmem:$0x6800] =	vst v63  }
0x1e: {  	_ =	swait.ge [sflag:s7], $0x4000  }
0x1f: {  	s14 =	smov.u32 s16;
	s12 =	sadd.s32 $0x800, s12;
	[sflag:s7] =	ssyncset.done $0x0  }
0x20: {  	s13 =	sshra.s32 s13, $0x2;
	[sflag:s7] =	ssyncadd.s32 $0xFFFFC000  }
0x21: {  	[tilespmem:s9], [sflag:$0x1] =	stream.indirect.gather [hbm4b:s1+s8], $0x80, s13, s8, $0xb8;
	[tilespmem:$0x6800] =	vst v63  }
0x22: {  	s11 =	sadd.s32 $0x1, s11;
	_ =	swait.ge [sflag:s10], $0x4000  }
0x23: {  	p0 =	sne.s32 s11, s5;
	[sflag:s10] =	ssyncset.done $0x0  }
.Ltmp1:
0x24: {  	[sflag:s10] =	ssyncadd.s32 $0xFFFFC000;
	(pc) =	sbr.rel @p0 .LBB2_1-.Ltmp1, $4  }
0x25: {  	[hbm4b:s12+s3] =	stream.linear.scatter [tilespmem:s9], [sflag:$0x2], $0x4000, $0x38;
	[tilespmem:$0x6800] =	vst v63  }
0x26: {  	_ =	swait.ge [sflag:s7], $0x4000  }
0x27: {  	[sflag:s7] =	ssyncset.done $0x0  }
0x28: {  	[sflag:s7] =	ssyncadd.s32 $0xFFFFC000  }
0x29: {  	_ =	sfence.sel $0x180000  }
0x2a: {  	[bflag:$0x0] =	sbarrier.arrive $0xFFFF  }
0x2b: {  	p0 =	sne.s32 s0, $0x0;
	_ =	strace $0x90000047  }
0x2c: {  	s0 =	sadd.s32 @!p0 $0x100000, s2;
	[bflag:$0x2] =	sbarrier.arrive $0xFFFF  }
0x2d: {  	[sflag:s0] =	ssyncadd.tile.s32 @!p0 $0x1;
	_ =	shalt  }
.Lfunc_end2:
_tile_overlayer_lowered:
.L_overlay_start_2:
0x2e: {  	(tag) =	ssettag $0x2  }
0x2f: {  	s0 =	rddreg [dreg:$0x0];
	s2 =	stileid.u32  }
0x30: {  	s1 =	rddreg [dreg:$0x1];
	p0 =	sne.s32 s2, $0x0  }
0x31: {  	s3 =	rddreg [dreg:$0x2];
	[bflag:$0x3] =	sbarrier.arrive $0xFFFF;
	s2 =	simm.s32 @!p0 $0x1C02  }
0x32: {  	[timem:s3], [sflag:s2] =	dma.local @!p0 [hbm:s0], s1  }
0x33: {  	s0 =	simm.s32 @!p0 $0x2  }
0x34: {  	_ =	swait.ge @!p0 [sflag:s0], s1  }
0x35: {  	s1 =	ssub.s32 @!p0 $0x0, s1;
	[sflag:s0] =	ssyncset.done @!p0 $0x0  }
0x36: {  	[sflag:s0] =	ssyncadd.s32 @!p0 s1  }
0x37: {  	[bflag:$0x3] =	sbarrier.arrive $0xFFFF  }
0x38: {  	_ =	shalt  }

</sc_bundles>
